<compile_context>
chip_gen: v7x
topology: tpu7x:2x2x1
jax: 0.10.2.dev20260603
libtpu: 0.0.44.dev20260713+nightly
codegen_flags: <defaults>
</compile_context>

<pallas_src>
import functools

import jax
import jax.numpy as jnp
from jax import lax
from jax.experimental import pallas as pl
from jax.experimental.pallas import tpu as pltpu
from jax.experimental.pallas import tpu_sc as plsc

D = 64
B, G, L = 1024, 26, 50
SEGS = B * G
NC, NS = 2, 16
NW = NC * NS
SEG_PER_CHUNK = 16
IDX_PER_CHUNK = SEG_PER_CHUNK * L
NSUB = 8
SUB = IDX_PER_CHUNK // NSUB
NCHUNK = SEGS // SEG_PER_CHUNK
CHUNK_PER_W = NCHUNK // NW
NLANE = 16
DV = D // NLANE


def _sc_body(weight_hbm, words_hbm, out_hbm, idx_v, rows_v, out_v, sem):
    wid = lax.axis_index("s") * NC + lax.axis_index("c")

    def chunk_body(c, carry):
        cg = wid * CHUNK_PER_W + c
        pltpu.sync_copy(words_hbm.at[cg], idx_v)
        handles = [
            pltpu.async_copy(
                weight_hbm.at[idx_v.at[j]],
                rows_v.at[pl.ds(j * SUB, SUB)],
                sem,
            )
            for j in range(NSUB)
        ]
        for h in handles:
            h.wait()

        def seg_body(s, carry2):
            base = s * L

            def l_body(l, accs):
                r = base + l
                return tuple(
                    accs[d] + rows_v[r, pl.ds(d * NLANE, NLANE)]
                    for d in range(DV)
                )

            accs = lax.fori_loop(
                0, L, l_body,
                tuple(jnp.zeros((NLANE,), jnp.float32) for _ in range(DV)),
            )
            for d in range(DV):
                out_v[s, pl.ds(d * NLANE, NLANE)] = accs[d] * (1.0 / L)
            return carry2

        lax.fori_loop(0, SEG_PER_CHUNK, seg_body, 0)
        pltpu.sync_copy(
            out_v, out_hbm.at[pl.ds(cg * SEG_PER_CHUNK, SEG_PER_CHUNK)]
        )
        return carry

    lax.fori_loop(0, CHUNK_PER_W, chunk_body, 0)


@jax.jit
def _gather_pool(weight, words_r):
    mesh = plsc.VectorSubcoreMesh(core_axis_name="c", subcore_axis_name="s")
    f = functools.partial(
        pl.kernel,
        mesh=mesh,
        out_type=jax.ShapeDtypeStruct((SEGS, D), jnp.float32),
        scratch_types=[
            pltpu.VMEM((NSUB, SUB), jnp.int32),
            pltpu.VMEM((IDX_PER_CHUNK, D), jnp.float32),
            pltpu.VMEM((SEG_PER_CHUNK, D), jnp.float32),
            pltpu.SemaphoreType.DMA,
        ],
        compiler_params=pltpu.CompilerParams(use_tc_tiling_on_sc=False),
    )(_sc_body)
    return f(weight, words_r)


def kernel(words, labels, groups, masks, weight):
    words_r = words.reshape(NCHUNK, NSUB, SUB).astype(jnp.int32)
    agg = _gather_pool(weight, words_r)
    return (agg.reshape(B, G, D), labels)

# --- scband reference (transcript-rebuilt; emitter-appended) ---
"""Pipeline reference for scband-word-aggregate-layer-55078660604254 (READ-ONLY COPY).

The authoritative reference and input builder live on the scoring server;
editing this copy changes nothing except your own understanding.
"""

import jax, jax.numpy as jnp
import numpy as np

VOCAB_SIZE = 1000000
WORD_DIM = 64
B, G, L = 1024, 26, 50


def setup_inputs(seed: int = 0) -> dict:
    key = jax.random.key(seed)
    k1, k2, k3, k4 = jax.random.split(key, 4)
    words = jax.random.randint(k1, (B, G, L), 0, VOCAB_SIZE)
    labels = jax.random.randint(k2, (B,), 0, 2)
    groups = jax.random.randint(k3, (B,), 0, G)
    masks = jnp.ones((B, G, L), dtype=jnp.float32)
    weight = jax.random.normal(k4, (VOCAB_SIZE, WORD_DIM), dtype=jnp.float32) * 0.02
    return {"words": words, "labels": labels, "groups": groups, "masks": masks, "weight": weight}


def reference(words, labels, groups, masks, weight):
    # EmbeddingLayer.forward: embedding lookup (padding_idx=None)
    reprs = jnp.take(weight, words, axis=0)  # [B, G, L, D]
    # forward re-creates masks = ones(words.shape)
    masks2 = jnp.ones(words.shape, dtype=jnp.float32)
    column_sum = jnp.sum(masks2, axis=2)  # [B, G]
    column_sum = jnp.where(column_sum == 0, 1.0, column_sum)
    agg_reprs = jnp.sum(reprs, axis=2) / column_sum.reshape(masks2.shape[0], -1, 1)  # [B, G, D]
    # dimension == 2, so no mean over axis=1
    return (agg_reprs, labels)

if __name__ == "__main__":
    import jax
    _d = setup_inputs()
    print(jax.jit(kernel)(*tuple(_d.values())))

</pallas_src>

<mosaic_0001>
#map = affine_map<(d0, d1) -> (0, 0)>
#map1 = affine_map<(d0, d1) -> (0, 0, 0)>
module attributes {stable_mosaic.version = 14 : i64} {
  func.func @_sc_body(%arg0: i32, %arg1: i32, %arg2: memref<1000000x64xf32, #tpu.memory_space<hbm>>, %arg3: memref<1664x8x100xi32, #tpu.memory_space<hbm>>, %arg4: memref<26624x64xf32, #tpu.memory_space<hbm>>, %arg5: memref<8x100xi32, #tpu.memory_space<vmem>>, %arg6: memref<800x64xf32, #tpu.memory_space<vmem>>, %arg7: memref<16x64xf32, #tpu.memory_space<vmem>>, %arg8: memref<!tpu.dma_semaphore, #tpu.memory_space<semaphore_mem>>) attributes {dimension_semantics = [#tpu.dimension_semantics<core_parallel>, #tpu.dimension_semantics<subcore_parallel>], iteration_bounds = array<i64: 2, 16>, scalar_prefetch = 0 : i64, scratch_operands = 4 : i64, tpu.core_type = #tpu.core_type<sc_vector_subcore>, window_params = [{transform_indices = #map}, {transform_indices = #map1}, {transform_indices = #map}]} {
    %mul3A = arith.constant 2 : i32
    %mul3A_0 = arith.muli %arg1, %mul3A : i32
    %add3A = arith.addi %mul3A_0, %arg0 : i32
    %scan3A = arith.constant 0 : i32
    %scan3A_1 = arith.constant 0 : i32
    %scan3A_2 = arith.constant 52 : i32
    %scan3A_3 = arith.addi %scan3A_1, %scan3A_2 : i32
    %scan3A_4 = arith.constant 1 : i32
    scf.for %scan3A_6 = %scan3A_1 to %scan3A_3 step %scan3A_4  : i32 {
      %mul3A_7 = arith.constant 52 : i32
      %mul3A_8 = arith.muli %add3A, %mul3A_7 : i32
      %add3A_9 = arith.addi %mul3A_8, %scan3A_6 : i32
      "tpu.region"() ({
        %run_scoped3A = tpu.sem_alloc : memref<!tpu.dma_semaphore, #tpu.memory_space<semaphore_mem>>
        %dma_start3A_176 = arith.constant 0 : i32
        %dma_start3A_177 = arith.constant 0 : i32
        %dma_start3A_178 = tpu.memref_slice %arg3[%add3A_9, %dma_start3A_176, %dma_start3A_177] : memref<1664x8x100xi32, #tpu.memory_space<hbm>> -> memref<1x8x100xi32, #tpu.memory_space<hbm>>
        %dma_start3A_179 = tpu.memref_squeeze %dma_start3A_178 : memref<1x8x100xi32, #tpu.memory_space<hbm>> -> memref<8x100xi32, #tpu.memory_space<hbm>>
        %dma_start3A_180 = arith.constant 0 : i32
        %dma_start3A_181 = arith.constant 0 : i32
        %dma_start3A_182 = tpu.memref_slice %arg3[%add3A_9, %dma_start3A_180, %dma_start3A_181] : memref<1664x8x100xi32, #tpu.memory_space<hbm>> -> memref<1x8x100xi32, #tpu.memory_space<hbm>>
        %dma_start3A_183 = tpu.memref_squeeze %dma_start3A_182 : memref<1x8x100xi32, #tpu.memory_space<hbm>> -> memref<8x100xi32, #tpu.memory_space<hbm>>
        tpu.enqueue_dma source(%dma_start3A_183 : memref<8x100xi32, #tpu.memory_space<hbm>>) target(%arg5 : memref<8x100xi32, #tpu.memory_space<vmem>>) target_semaphore(%run_scoped3A : memref<!tpu.dma_semaphore, #tpu.memory_space<semaphore_mem>>)
        %dma_wait3A_184 = arith.constant 0 : i32
        %dma_wait3A_185 = arith.constant 0 : i32
        %dma_wait3A_186 = tpu.memref_slice %arg3[%add3A_9, %dma_wait3A_184, %dma_wait3A_185] : memref<1664x8x100xi32, #tpu.memory_space<hbm>> -> memref<1x8x100xi32, #tpu.memory_space<hbm>>
        %dma_wait3A_187 = tpu.memref_squeeze %dma_wait3A_186 : memref<1x8x100xi32, #tpu.memory_space<hbm>> -> memref<8x100xi32, #tpu.memory_space<hbm>>
        %dma_wait3A_188 = arith.constant 0 : i32
        %dma_wait3A_189 = arith.constant 0 : i32
        %dma_wait3A_190 = tpu.memref_slice %arg3[%add3A_9, %dma_wait3A_188, %dma_wait3A_189] : memref<1664x8x100xi32, #tpu.memory_space<hbm>> -> memref<1x8x100xi32, #tpu.memory_space<hbm>>
        %dma_wait3A_191 = tpu.memref_squeeze %dma_wait3A_190 : memref<1x8x100xi32, #tpu.memory_space<hbm>> -> memref<8x100xi32, #tpu.memory_space<hbm>>
        tpu.wait_dma2 semaphore(%run_scoped3A : memref<!tpu.dma_semaphore, #tpu.memory_space<semaphore_mem>>) src(%dma_wait3A_191 : memref<8x100xi32, #tpu.memory_space<hbm>>) dst(%arg5 : memref<8x100xi32, #tpu.memory_space<vmem>>)
        tpu.yield
      }) : () -> ()
      %dma_start3A = arith.constant 0 : i32
      %dma_start3A_10 = arith.constant 0 : i32
      %dma_start3A_11 = arith.constant 0 : i32
      %dma_start3A_12 = tpu.memref_slice %arg6[%dma_start3A_10, %dma_start3A_11] : memref<800x64xf32, #tpu.memory_space<vmem>> -> memref<100x64xf32, #tpu.memory_space<vmem>>
      %dma_start3A_13 = arith.constant 0 : i32
      %dma_start3A_14 = tpu.memref_slice %arg5[%dma_start3A, %dma_start3A_13] : memref<8x100xi32, #tpu.memory_space<vmem>> -> memref<1x100xi32, #tpu.memory_space<vmem>>
      %dma_start3A_15 = tpu.memref_squeeze %dma_start3A_14 : memref<1x100xi32, #tpu.memory_space<vmem>> -> memref<100xi32, #tpu.memory_space<vmem>>
      %dma_start3A_16 = arith.constant 0 : i32
      %dma_start3A_17 = arith.constant 0 : i32
      %dma_start3A_18 = tpu.memref_slice %arg2[%dma_start3A_16, %dma_start3A_17] : memref<1000000x64xf32, #tpu.memory_space<hbm>> -> memref<1000000x64xf32, #tpu.memory_space<hbm>>
      tpu.enqueue_indirect_dma source(%dma_start3A_18 : memref<1000000x64xf32, #tpu.memory_space<hbm>>) target(%dma_start3A_12 : memref<100x64xf32, #tpu.memory_space<vmem>>) offsets(%dma_start3A_15 : memref<100xi32, #tpu.memory_space<vmem>>) semaphore(%arg8 : memref<!tpu.dma_semaphore, #tpu.memory_space<semaphore_mem>>)
      %dma_start3A_19 = arith.constant 1 : i32
      %dma_start3A_20 = arith.constant 100 : i32
      %dma_start3A_21 = arith.constant 0 : i32
      %dma_start3A_22 = tpu.memref_slice %arg6[%dma_start3A_20, %dma_start3A_21] : memref<800x64xf32, #tpu.memory_space<vmem>> -> memref<100x64xf32, #tpu.memory_space<vmem>>
      %dma_start3A_23 = arith.constant 0 : i32
      %dma_start3A_24 = tpu.memref_slice %arg5[%dma_start3A_19, %dma_start3A_23] : memref<8x100xi32, #tpu.memory_space<vmem>> -> memref<1x100xi32, #tpu.memory_space<vmem>>
      %dma_start3A_25 = tpu.memref_squeeze %dma_start3A_24 : memref<1x100xi32, #tpu.memory_space<vmem>> -> memref<100xi32, #tpu.memory_space<vmem>>
      %dma_start3A_26 = arith.constant 0 : i32
      %dma_start3A_27 = arith.constant 0 : i32
      %dma_start3A_28 = tpu.memref_slice %arg2[%dma_start3A_26, %dma_start3A_27] : memref<1000000x64xf32, #tpu.memory_space<hbm>> -> memref<1000000x64xf32, #tpu.memory_space<hbm>>
      tpu.enqueue_indirect_dma source(%dma_start3A_28 : memref<1000000x64xf32, #tpu.memory_space<hbm>>) target(%dma_start3A_22 : memref<100x64xf32, #tpu.memory_space<vmem>>) offsets(%dma_start3A_25 : memref<100xi32, #tpu.memory_space<vmem>>) semaphore(%arg8 : memref<!tpu.dma_semaphore, #tpu.memory_space<semaphore_mem>>)
      %dma_start3A_29 = arith.constant 2 : i32
      %dma_start3A_30 = arith.constant 200 : i32
      %dma_start3A_31 = arith.constant 0 : i32
      %dma_start3A_32 = tpu.memref_slice %arg6[%dma_start3A_30, %dma_start3A_31] : memref<800x64xf32, #tpu.memory_space<vmem>> -> memref<100x64xf32, #tpu.memory_space<vmem>>
      %dma_start3A_33 = arith.constant 0 : i32
      %dma_start3A_34 = tpu.memref_slice %arg5[%dma_start3A_29, %dma_start3A_33] : memref<8x100xi32, #tpu.memory_space<vmem>> -> memref<1x100xi32, #tpu.memory_space<vmem>>
      %dma_start3A_35 = tpu.memref_squeeze %dma_start3A_34 : memref<1x100xi32, #tpu.memory_space<vmem>> -> memref<100xi32, #tpu.memory_space<vmem>>
      %dma_start3A_36 = arith.constant 0 : i32
      %dma_start3A_37 = arith.constant 0 : i32
      %dma_start3A_38 = tpu.memref_slice %arg2[%dma_start3A_36, %dma_start3A_37] : memref<1000000x64xf32, #tpu.memory_space<hbm>> -> memref<1000000x64xf32, #tpu.memory_space<hbm>>
      tpu.enqueue_indirect_dma source(%dma_start3A_38 : memref<1000000x64xf32, #tpu.memory_space<hbm>>) target(%dma_start3A_32 : memref<100x64xf32, #tpu.memory_space<vmem>>) offsets(%dma_start3A_35 : memref<100xi32, #tpu.memory_space<vmem>>) semaphore(%arg8 : memref<!tpu.dma_semaphore, #tpu.memory_space<semaphore_mem>>)
      %dma_start3A_39 = arith.constant 3 : i32
      %dma_start3A_40 = arith.constant 300 : i32
      %dma_start3A_41 = arith.constant 0 : i32
      %dma_start3A_42 = tpu.memref_slice %arg6[%dma_start3A_40, %dma_start3A_41] : memref<800x64xf32, #tpu.memory_space<vmem>> -> memref<100x64xf32, #tpu.memory_space<vmem>>
      %dma_start3A_43 = arith.constant 0 : i32
      %dma_start3A_44 = tpu.memref_slice %arg5[%dma_start3A_39, %dma_start3A_43] : memref<8x100xi32, #tpu.memory_space<vmem>> -> memref<1x100xi32, #tpu.memory_space<vmem>>
      %dma_start3A_45 = tpu.memref_squeeze %dma_start3A_44 : memref<1x100xi32, #tpu.memory_space<vmem>> -> memref<100xi32, #tpu.memory_space<vmem>>
      %dma_start3A_46 = arith.constant 0 : i32
      %dma_start3A_47 = arith.constant 0 : i32
      %dma_start3A_48 = tpu.memref_slice %arg2[%dma_start3A_46, %dma_start3A_47] : memref<1000000x64xf32, #tpu.memory_space<hbm>> -> memref<1000000x64xf32, #tpu.memory_space<hbm>>
      tpu.enqueue_indirect_dma source(%dma_start3A_48 : memref<1000000x64xf32, #tpu.memory_space<hbm>>) target(%dma_start3A_42 : memref<100x64xf32, #tpu.memory_space<vmem>>) offsets(%dma_start3A_45 : memref<100xi32, #tpu.memory_space<vmem>>) semaphore(%arg8 : memref<!tpu.dma_semaphore, #tpu.memory_space<semaphore_mem>>)
      %dma_start3A_49 = arith.constant 4 : i32
      %dma_start3A_50 = arith.constant 400 : i32
      %dma_start3A_51 = arith.constant 0 : i32
      %dma_start3A_52 = tpu.memref_slice %arg6[%dma_start3A_50, %dma_start3A_51] : memref<800x64xf32, #tpu.memory_space<vmem>> -> memref<100x64xf32, #tpu.memory_space<vmem>>
      %dma_start3A_53 = arith.constant 0 : i32
      %dma_start3A_54 = tpu.memref_slice %arg5[%dma_start3A_49, %dma_start3A_53] : memref<8x100xi32, #tpu.memory_space<vmem>> -> memref<1x100xi32, #tpu.memory_space<vmem>>
      %dma_start3A_55 = tpu.memref_squeeze %dma_start3A_54 : memref<1x100xi32, #tpu.memory_space<vmem>> -> memref<100xi32, #tpu.memory_space<vmem>>
      %dma_start3A_56 = arith.constant 0 : i32
      %dma_start3A_57 = arith.constant 0 : i32
      %dma_start3A_58 = tpu.memref_slice %arg2[%dma_start3A_56, %dma_start3A_57] : memref<1000000x64xf32, #tpu.memory_space<hbm>> -> memref<1000000x64xf32, #tpu.memory_space<hbm>>
      tpu.enqueue_indirect_dma source(%dma_start3A_58 : memref<1000000x64xf32, #tpu.memory_space<hbm>>) target(%dma_start3A_52 : memref<100x64xf32, #tpu.memory_space<vmem>>) offsets(%dma_start3A_55 : memref<100xi32, #tpu.memory_space<vmem>>) semaphore(%arg8 : memref<!tpu.dma_semaphore, #tpu.memory_space<semaphore_mem>>)
      %dma_start3A_59 = arith.constant 5 : i32
      %dma_start3A_60 = arith.constant 500 : i32
      %dma_start3A_61 = arith.constant 0 : i32
      %dma_start3A_62 = tpu.memref_slice %arg6[%dma_start3A_60, %dma_start3A_61] : memref<800x64xf32, #tpu.memory_space<vmem>> -> memref<100x64xf32, #tpu.memory_space<vmem>>
      %dma_start3A_63 = arith.constant 0 : i32
      %dma_start3A_64 = tpu.memref_slice %arg5[%dma_start3A_59, %dma_start3A_63] : memref<8x100xi32, #tpu.memory_space<vmem>> -> memref<1x100xi32, #tpu.memory_space<vmem>>
      %dma_start3A_65 = tpu.memref_squeeze %dma_start3A_64 : memref<1x100xi32, #tpu.memory_space<vmem>> -> memref<100xi32, #tpu.memory_space<vmem>>
      %dma_start3A_66 = arith.constant 0 : i32
      %dma_start3A_67 = arith.constant 0 : i32
      %dma_start3A_68 = tpu.memref_slice %arg2[%dma_start3A_66, %dma_start3A_67] : memref<1000000x64xf32, #tpu.memory_space<hbm>> -> memref<1000000x64xf32, #tpu.memory_space<hbm>>
      tpu.enqueue_indirect_dma source(%dma_start3A_68 : memref<1000000x64xf32, #tpu.memory_space<hbm>>) target(%dma_start3A_62 : memref<100x64xf32, #tpu.memory_space<vmem>>) offsets(%dma_start3A_65 : memref<100xi32, #tpu.memory_space<vmem>>) semaphore(%arg8 : memref<!tpu.dma_semaphore, #tpu.memory_space<semaphore_mem>>)
      %dma_start3A_69 = arith.constant 6 : i32
      %dma_start3A_70 = arith.constant 600 : i32
      %dma_start3A_71 = arith.constant 0 : i32
      %dma_start3A_72 = tpu.memref_slice %arg6[%dma_start3A_70, %dma_start3A_71] : memref<800x64xf32, #tpu.memory_space<vmem>> -> memref<100x64xf32, #tpu.memory_space<vmem>>
      %dma_start3A_73 = arith.constant 0 : i32
      %dma_start3A_74 = tpu.memref_slice %arg5[%dma_start3A_69, %dma_start3A_73] : memref<8x100xi32, #tpu.memory_space<vmem>> -> memref<1x100xi32, #tpu.memory_space<vmem>>
      %dma_start3A_75 = tpu.memref_squeeze %dma_start3A_74 : memref<1x100xi32, #tpu.memory_space<vmem>> -> memref<100xi32, #tpu.memory_space<vmem>>
      %dma_start3A_76 = arith.constant 0 : i32
      %dma_start3A_77 = arith.constant 0 : i32
      %dma_start3A_78 = tpu.memref_slice %arg2[%dma_start3A_76, %dma_start3A_77] : memref<1000000x64xf32, #tpu.memory_space<hbm>> -> memref<1000000x64xf32, #tpu.memory_space<hbm>>
      tpu.enqueue_indirect_dma source(%dma_start3A_78 : memref<1000000x64xf32, #tpu.memory_space<hbm>>) target(%dma_start3A_72 : memref<100x64xf32, #tpu.memory_space<vmem>>) offsets(%dma_start3A_75 : memref<100xi32, #tpu.memory_space<vmem>>) semaphore(%arg8 : memref<!tpu.dma_semaphore, #tpu.memory_space<semaphore_mem>>)
      %dma_start3A_79 = arith.constant 7 : i32
      %dma_start3A_80 = arith.constant 700 : i32
      %dma_start3A_81 = arith.constant 0 : i32
      %dma_start3A_82 = tpu.memref_slice %arg6[%dma_start3A_80, %dma_start3A_81] : memref<800x64xf32, #tpu.memory_space<vmem>> -> memref<100x64xf32, #tpu.memory_space<vmem>>
      %dma_start3A_83 = arith.constant 0 : i32
      %dma_start3A_84 = tpu.memref_slice %arg5[%dma_start3A_79, %dma_start3A_83] : memref<8x100xi32, #tpu.memory_space<vmem>> -> memref<1x100xi32, #tpu.memory_space<vmem>>
      %dma_start3A_85 = tpu.memref_squeeze %dma_start3A_84 : memref<1x100xi32, #tpu.memory_space<vmem>> -> memref<100xi32, #tpu.memory_space<vmem>>
      %dma_start3A_86 = arith.constant 0 : i32
      %dma_start3A_87 = arith.constant 0 : i32
      %dma_start3A_88 = tpu.memref_slice %arg2[%dma_start3A_86, %dma_start3A_87] : memref<1000000x64xf32, #tpu.memory_space<hbm>> -> memref<1000000x64xf32, #tpu.memory_space<hbm>>
      tpu.enqueue_indirect_dma source(%dma_start3A_88 : memref<1000000x64xf32, #tpu.memory_space<hbm>>) target(%dma_start3A_82 : memref<100x64xf32, #tpu.memory_space<vmem>>) offsets(%dma_start3A_85 : memref<100xi32, #tpu.memory_space<vmem>>) semaphore(%arg8 : memref<!tpu.dma_semaphore, #tpu.memory_space<semaphore_mem>>)
      %dma_wait3A = arith.constant 0 : i32
      %dma_wait3A_89 = arith.constant 0 : i32
      %dma_wait3A_90 = arith.constant 0 : i32
      %dma_wait3A_91 = tpu.memref_slice %arg6[%dma_wait3A_89, %dma_wait3A_90] : memref<800x64xf32, #tpu.memory_space<vmem>> -> memref<100x64xf32, #tpu.memory_space<vmem>>
      %dma_wait3A_92 = arith.constant 0 : i32
      %dma_wait3A_93 = tpu.memref_slice %arg5[%dma_wait3A, %dma_wait3A_92] : memref<8x100xi32, #tpu.memory_space<vmem>> -> memref<1x100xi32, #tpu.memory_space<vmem>>
      %dma_wait3A_94 = tpu.memref_squeeze %dma_wait3A_93 : memref<1x100xi32, #tpu.memory_space<vmem>> -> memref<100xi32, #tpu.memory_space<vmem>>
      %dma_wait3A_95 = arith.constant 0 : i32
      %dma_wait3A_96 = arith.constant 0 : i32
      %dma_wait3A_97 = tpu.memref_slice %arg2[%dma_wait3A_95, %dma_wait3A_96] : memref<1000000x64xf32, #tpu.memory_space<hbm>> -> memref<1000000x64xf32, #tpu.memory_space<hbm>>
      tpu.wait_indirect_dma semaphore(%arg8 : memref<!tpu.dma_semaphore, #tpu.memory_space<semaphore_mem>>) src(%dma_wait3A_97 : memref<1000000x64xf32, #tpu.memory_space<hbm>>) dst(%dma_wait3A_91 : memref<100x64xf32, #tpu.memory_space<vmem>>)
      %dma_wait3A_98 = arith.constant 1 : i32
      %dma_wait3A_99 = arith.constant 100 : i32
      %dma_wait3A_100 = arith.constant 0 : i32
      %dma_wait3A_101 = tpu.memref_slice %arg6[%dma_wait3A_99, %dma_wait3A_100] : memref<800x64xf32, #tpu.memory_space<vmem>> -> memref<100x64xf32, #tpu.memory_space<vmem>>
      %dma_wait3A_102 = arith.constant 0 : i32
      %dma_wait3A_103 = tpu.memref_slice %arg5[%dma_wait3A_98, %dma_wait3A_102] : memref<8x100xi32, #tpu.memory_space<vmem>> -> memref<1x100xi32, #tpu.memory_space<vmem>>
      %dma_wait3A_104 = tpu.memref_squeeze %dma_wait3A_103 : memref<1x100xi32, #tpu.memory_space<vmem>> -> memref<100xi32, #tpu.memory_space<vmem>>
      %dma_wait3A_105 = arith.constant 0 : i32
      %dma_wait3A_106 = arith.constant 0 : i32
      %dma_wait3A_107 = tpu.memref_slice %arg2[%dma_wait3A_105, %dma_wait3A_106] : memref<1000000x64xf32, #tpu.memory_space<hbm>> -> memref<1000000x64xf32, #tpu.memory_space<hbm>>
      tpu.wait_indirect_dma semaphore(%arg8 : memref<!tpu.dma_semaphore, #tpu.memory_space<semaphore_mem>>) src(%dma_wait3A_107 : memref<1000000x64xf32, #tpu.memory_space<hbm>>) dst(%dma_wait3A_101 : memref<100x64xf32, #tpu.memory_space<vmem>>)
      %dma_wait3A_108 = arith.constant 2 : i32
      %dma_wait3A_109 = arith.constant 200 : i32
      %dma_wait3A_110 = arith.constant 0 : i32
      %dma_wait3A_111 = tpu.memref_slice %arg6[%dma_wait3A_109, %dma_wait3A_110] : memref<800x64xf32, #tpu.memory_space<vmem>> -> memref<100x64xf32, #tpu.memory_space<vmem>>
      %dma_wait3A_112 = arith.constant 0 : i32
      %dma_wait3A_113 = tpu.memref_slice %arg5[%dma_wait3A_108, %dma_wait3A_112] : memref<8x100xi32, #tpu.memory_space<vmem>> -> memref<1x100xi32, #tpu.memory_space<vmem>>
      %dma_wait3A_114 = tpu.memref_squeeze %dma_wait3A_113 : memref<1x100xi32, #tpu.memory_space<vmem>> -> memref<100xi32, #tpu.memory_space<vmem>>
      %dma_wait3A_115 = arith.constant 0 : i32
      %dma_wait3A_116 = arith.constant 0 : i32
      %dma_wait3A_117 = tpu.memref_slice %arg2[%dma_wait3A_115, %dma_wait3A_116] : memref<1000000x64xf32, #tpu.memory_space<hbm>> -> memref<1000000x64xf32, #tpu.memory_space<hbm>>
      tpu.wait_indirect_dma semaphore(%arg8 : memref<!tpu.dma_semaphore, #tpu.memory_space<semaphore_mem>>) src(%dma_wait3A_117 : memref<1000000x64xf32, #tpu.memory_space<hbm>>) dst(%dma_wait3A_111 : memref<100x64xf32, #tpu.memory_space<vmem>>)
      %dma_wait3A_118 = arith.constant 3 : i32
      %dma_wait3A_119 = arith.constant 300 : i32
      %dma_wait3A_120 = arith.constant 0 : i32
      %dma_wait3A_121 = tpu.memref_slice %arg6[%dma_wait3A_119, %dma_wait3A_120] : memref<800x64xf32, #tpu.memory_space<vmem>> -> memref<100x64xf32, #tpu.memory_space<vmem>>
      %dma_wait3A_122 = arith.constant 0 : i32
      %dma_wait3A_123 = tpu.memref_slice %arg5[%dma_wait3A_118, %dma_wait3A_122] : memref<8x100xi32, #tpu.memory_space<vmem>> -> memref<1x100xi32, #tpu.memory_space<vmem>>
      %dma_wait3A_124 = tpu.memref_squeeze %dma_wait3A_123 : memref<1x100xi32, #tpu.memory_space<vmem>> -> memref<100xi32, #tpu.memory_space<vmem>>
      %dma_wait3A_125 = arith.constant 0 : i32
      %dma_wait3A_126 = arith.constant 0 : i32
      %dma_wait3A_127 = tpu.memref_slice %arg2[%dma_wait3A_125, %dma_wait3A_126] : memref<1000000x64xf32, #tpu.memory_space<hbm>> -> memref<1000000x64xf32, #tpu.memory_space<hbm>>
      tpu.wait_indirect_dma semaphore(%arg8 : memref<!tpu.dma_semaphore, #tpu.memory_space<semaphore_mem>>) src(%dma_wait3A_127 : memref<1000000x64xf32, #tpu.memory_space<hbm>>) dst(%dma_wait3A_121 : memref<100x64xf32, #tpu.memory_space<vmem>>)
      %dma_wait3A_128 = arith.constant 4 : i32
      %dma_wait3A_129 = arith.constant 400 : i32
      %dma_wait3A_130 = arith.constant 0 : i32
      %dma_wait3A_131 = tpu.memref_slice %arg6[%dma_wait3A_129, %dma_wait3A_130] : memref<800x64xf32, #tpu.memory_space<vmem>> -> memref<100x64xf32, #tpu.memory_space<vmem>>
      %dma_wait3A_132 = arith.constant 0 : i32
      %dma_wait3A_133 = tpu.memref_slice %arg5[%dma_wait3A_128, %dma_wait3A_132] : memref<8x100xi32, #tpu.memory_space<vmem>> -> memref<1x100xi32, #tpu.memory_space<vmem>>
      %dma_wait3A_134 = tpu.memref_squeeze %dma_wait3A_133 : memref<1x100xi32, #tpu.memory_space<vmem>> -> memref<100xi32, #tpu.memory_space<vmem>>
      %dma_wait3A_135 = arith.constant 0 : i32
      %dma_wait3A_136 = arith.constant 0 : i32
      %dma_wait3A_137 = tpu.memref_slice %arg2[%dma_wait3A_135, %dma_wait3A_136] : memref<1000000x64xf32, #tpu.memory_space<hbm>> -> memref<1000000x64xf32, #tpu.memory_space<hbm>>
      tpu.wait_indirect_dma semaphore(%arg8 : memref<!tpu.dma_semaphore, #tpu.memory_space<semaphore_mem>>) src(%dma_wait3A_137 : memref<1000000x64xf32, #tpu.memory_space<hbm>>) dst(%dma_wait3A_131 : memref<100x64xf32, #tpu.memory_space<vmem>>)
      %dma_wait3A_138 = arith.constant 5 : i32
      %dma_wait3A_139 = arith.constant 500 : i32
      %dma_wait3A_140 = arith.constant 0 : i32
      %dma_wait3A_141 = tpu.memref_slice %arg6[%dma_wait3A_139, %dma_wait3A_140] : memref<800x64xf32, #tpu.memory_space<vmem>> -> memref<100x64xf32, #tpu.memory_space<vmem>>
      %dma_wait3A_142 = arith.constant 0 : i32
      %dma_wait3A_143 = tpu.memref_slice %arg5[%dma_wait3A_138, %dma_wait3A_142] : memref<8x100xi32, #tpu.memory_space<vmem>> -> memref<1x100xi32, #tpu.memory_space<vmem>>
      %dma_wait3A_144 = tpu.memref_squeeze %dma_wait3A_143 : memref<1x100xi32, #tpu.memory_space<vmem>> -> memref<100xi32, #tpu.memory_space<vmem>>
      %dma_wait3A_145 = arith.constant 0 : i32
      %dma_wait3A_146 = arith.constant 0 : i32
      %dma_wait3A_147 = tpu.memref_slice %arg2[%dma_wait3A_145, %dma_wait3A_146] : memref<1000000x64xf32, #tpu.memory_space<hbm>> -> memref<1000000x64xf32, #tpu.memory_space<hbm>>
      tpu.wait_indirect_dma semaphore(%arg8 : memref<!tpu.dma_semaphore, #tpu.memory_space<semaphore_mem>>) src(%dma_wait3A_147 : memref<1000000x64xf32, #tpu.memory_space<hbm>>) dst(%dma_wait3A_141 : memref<100x64xf32, #tpu.memory_space<vmem>>)
      %dma_wait3A_148 = arith.constant 6 : i32
      %dma_wait3A_149 = arith.constant 600 : i32
      %dma_wait3A_150 = arith.constant 0 : i32
      %dma_wait3A_151 = tpu.memref_slice %arg6[%dma_wait3A_149, %dma_wait3A_150] : memref<800x64xf32, #tpu.memory_space<vmem>> -> memref<100x64xf32, #tpu.memory_space<vmem>>
      %dma_wait3A_152 = arith.constant 0 : i32
      %dma_wait3A_153 = tpu.memref_slice %arg5[%dma_wait3A_148, %dma_wait3A_152] : memref<8x100xi32, #tpu.memory_space<vmem>> -> memref<1x100xi32, #tpu.memory_space<vmem>>
      %dma_wait3A_154 = tpu.memref_squeeze %dma_wait3A_153 : memref<1x100xi32, #tpu.memory_space<vmem>> -> memref<100xi32, #tpu.memory_space<vmem>>
      %dma_wait3A_155 = arith.constant 0 : i32
      %dma_wait3A_156 = arith.constant 0 : i32
      %dma_wait3A_157 = tpu.memref_slice %arg2[%dma_wait3A_155, %dma_wait3A_156] : memref<1000000x64xf32, #tpu.memory_space<hbm>> -> memref<1000000x64xf32, #tpu.memory_space<hbm>>
      tpu.wait_indirect_dma semaphore(%arg8 : memref<!tpu.dma_semaphore, #tpu.memory_space<semaphore_mem>>) src(%dma_wait3A_157 : memref<1000000x64xf32, #tpu.memory_space<hbm>>) dst(%dma_wait3A_151 : memref<100x64xf32, #tpu.memory_space<vmem>>)
      %dma_wait3A_158 = arith.constant 7 : i32
      %dma_wait3A_159 = arith.constant 700 : i32
      %dma_wait3A_160 = arith.constant 0 : i32
      %dma_wait3A_161 = tpu.memref_slice %arg6[%dma_wait3A_159, %dma_wait3A_160] : memref<800x64xf32, #tpu.memory_space<vmem>> -> memref<100x64xf32, #tpu.memory_space<vmem>>
      %dma_wait3A_162 = arith.constant 0 : i32
      %dma_wait3A_163 = tpu.memref_slice %arg5[%dma_wait3A_158, %dma_wait3A_162] : memref<8x100xi32, #tpu.memory_space<vmem>> -> memref<1x100xi32, #tpu.memory_space<vmem>>
      %dma_wait3A_164 = tpu.memref_squeeze %dma_wait3A_163 : memref<1x100xi32, #tpu.memory_space<vmem>> -> memref<100xi32, #tpu.memory_space<vmem>>
      %dma_wait3A_165 = arith.constant 0 : i32
      %dma_wait3A_166 = arith.constant 0 : i32
      %dma_wait3A_167 = tpu.memref_slice %arg2[%dma_wait3A_165, %dma_wait3A_166] : memref<1000000x64xf32, #tpu.memory_space<hbm>> -> memref<1000000x64xf32, #tpu.memory_space<hbm>>
      tpu.wait_indirect_dma semaphore(%arg8 : memref<!tpu.dma_semaphore, #tpu.memory_space<semaphore_mem>>) src(%dma_wait3A_167 : memref<1000000x64xf32, #tpu.memory_space<hbm>>) dst(%dma_wait3A_161 : memref<100x64xf32, #tpu.memory_space<vmem>>)
      %scan3A_168 = arith.constant 0 : i32
      %scan3A_169 = arith.constant 0 : i32
      %scan3A_170 = arith.constant 16 : i32
      %scan3A_171 = arith.addi %scan3A_169, %scan3A_170 : i32
      %scan3A_172 = arith.constant 1 : i32
      scf.for %scan3A_176 = %scan3A_169 to %scan3A_171 step %scan3A_172  : i32 {
        %mul3A_177 = arith.constant 50 : i32
        %mul3A_178 = arith.muli %scan3A_176, %mul3A_177 : i32
        %broadcast_in_dim3A = arith.constant 0.000000e+00 : f32
        %broadcast_in_dim3A_179 = vector.broadcast %broadcast_in_dim3A : f32 to vector<16xf32>
        %broadcast_in_dim3A_180 = arith.constant 0.000000e+00 : f32
        %broadcast_in_dim3A_181 = vector.broadcast %broadcast_in_dim3A_180 : f32 to vector<16xf32>
        %broadcast_in_dim3A_182 = arith.constant 0.000000e+00 : f32
        %broadcast_in_dim3A_183 = vector.broadcast %broadcast_in_dim3A_182 : f32 to vector<16xf32>
        %broadcast_in_dim3A_184 = arith.constant 0.000000e+00 : f32
        %broadcast_in_dim3A_185 = vector.broadcast %broadcast_in_dim3A_184 : f32 to vector<16xf32>
        %scan3A_186 = arith.constant 0 : i32
        %scan3A_187 = arith.constant 50 : i32
        %scan3A_188 = arith.addi %scan3A_186, %scan3A_187 : i32
        %scan3A_189 = arith.constant 1 : i32
        %scan3A_190:4 = scf.for %scan3A_223 = %scan3A_186 to %scan3A_188 step %scan3A_189 iter_args(%scan3A_224 = %broadcast_in_dim3A_179, %scan3A_225 = %broadcast_in_dim3A_181, %scan3A_226 = %broadcast_in_dim3A_183, %scan3A_227 = %broadcast_in_dim3A_185) -> (vector<16xf32>, vector<16xf32>, vector<16xf32>, vector<16xf32>)  : i32 {
          %add3A_228 = arith.addi %mul3A_178, %scan3A_223 : i32
          %get3A = arith.index_cast %add3A_228 : i32 to index
          %get3A_229 = arith.constant 0 : index
          %get3A_230 = tpu.vector_load %arg6[%get3A, %get3A_229] {strides = array<i32>} : memref<800x64xf32, #tpu.memory_space<vmem>>, vector<1x16xf32>,
          %get3A_231 = vector.shape_cast %get3A_230 : vector<1x16xf32> to vector<16xf32>
          %add3A_232 = arith.addf %scan3A_224, %get3A_231 : vector<16xf32>
          %get3A_233 = arith.index_cast %add3A_228 : i32 to index
          %get3A_234 = arith.constant 16 : index
          %get3A_235 = tpu.vector_load %arg6[%get3A_233, %get3A_234] {strides = array<i32>} : memref<800x64xf32, #tpu.memory_space<vmem>>, vector<1x16xf32>,
          %get3A_236 = vector.shape_cast %get3A_235 : vector<1x16xf32> to vector<16xf32>
          %add3A_237 = arith.addf %scan3A_225, %get3A_236 : vector<16xf32>
          %get3A_238 = arith.index_cast %add3A_228 : i32 to index
          %get3A_239 = arith.constant 32 : index
          %get3A_240 = tpu.vector_load %arg6[%get3A_238, %get3A_239] {strides = array<i32>} : memref<800x64xf32, #tpu.memory_space<vmem>>, vector<1x16xf32>,
          %get3A_241 = vector.shape_cast %get3A_240 : vector<1x16xf32> to vector<16xf32>
          %add3A_242 = arith.addf %scan3A_226, %get3A_241 : vector<16xf32>
          %get3A_243 = arith.index_cast %add3A_228 : i32 to index
          %get3A_244 = arith.constant 48 : index
          %get3A_245 = tpu.vector_load %arg6[%get3A_243, %get3A_244] {strides = array<i32>} : memref<800x64xf32, #tpu.memory_space<vmem>>, vector<1x16xf32>,
          %get3A_246 = vector.shape_cast %get3A_245 : vector<1x16xf32> to vector<16xf32>
          %add3A_247 = arith.addf %scan3A_227, %get3A_246 : vector<16xf32>
          scf.yield %add3A_232, %add3A_237, %add3A_242, %add3A_247 : vector<16xf32>, vector<16xf32>, vector<16xf32>, vector<16xf32>
        }
        %scan3A_191 = arith.constant 50 : i32
        %mul3A_192 = arith.constant 2.000000e-02 : f32
        %mul3A_193 = vector.broadcast %mul3A_192 : f32 to vector<16xf32>
        %mul3A_194 = arith.mulf %scan3A_190#0, %mul3A_193 : vector<16xf32>
        %swap3A = arith.index_cast %scan3A_176 : i32 to index
        %swap3A_195 = arith.constant 0 : index
        %swap3A_196 = tpu.vector_load %arg7[%swap3A, %swap3A_195] {strides = array<i32>} : memref<16x64xf32, #tpu.memory_space<vmem>>, vector<1x16xf32>,
        %swap3A_197 = vector.shape_cast %swap3A_196 : vector<1x16xf32> to vector<16xf32>
        %swap3A_198 = vector.shape_cast %mul3A_194 : vector<16xf32> to vector<1x16xf32>
        tpu.vector_store %arg7[%swap3A, %swap3A_195], %swap3A_198 {strides = array<i32>} : memref<16x64xf32, #tpu.memory_space<vmem>>, vector<1x16xf32>,
        %mul3A_199 = arith.constant 2.000000e-02 : f32
        %mul3A_200 = vector.broadcast %mul3A_199 : f32 to vector<16xf32>
        %mul3A_201 = arith.mulf %scan3A_190#1, %mul3A_200 : vector<16xf32>
        %swap3A_202 = arith.index_cast %scan3A_176 : i32 to index
        %swap3A_203 = arith.constant 16 : index
        %swap3A_204 = tpu.vector_load %arg7[%swap3A_202, %swap3A_203] {strides = array<i32>} : memref<16x64xf32, #tpu.memory_space<vmem>>, vector<1x16xf32>,
        %swap3A_205 = vector.shape_cast %swap3A_204 : vector<1x16xf32> to vector<16xf32>
        %swap3A_206 = vector.shape_cast %mul3A_201 : vector<16xf32> to vector<1x16xf32>
        tpu.vector_store %arg7[%swap3A_202, %swap3A_203], %swap3A_206 {strides = array<i32>} : memref<16x64xf32, #tpu.memory_space<vmem>>, vector<1x16xf32>,
        %mul3A_207 = arith.constant 2.000000e-02 : f32
        %mul3A_208 = vector.broadcast %mul3A_207 : f32 to vector<16xf32>
        %mul3A_209 = arith.mulf %scan3A_190#2, %mul3A_208 : vector<16xf32>
        %swap3A_210 = arith.index_cast %scan3A_176 : i32 to index
        %swap3A_211 = arith.constant 32 : index
        %swap3A_212 = tpu.vector_load %arg7[%swap3A_210, %swap3A_211] {strides = array<i32>} : memref<16x64xf32, #tpu.memory_space<vmem>>, vector<1x16xf32>,
        %swap3A_213 = vector.shape_cast %swap3A_212 : vector<1x16xf32> to vector<16xf32>
        %swap3A_214 = vector.shape_cast %mul3A_209 : vector<16xf32> to vector<1x16xf32>
        tpu.vector_store %arg7[%swap3A_210, %swap3A_211], %swap3A_214 {strides = array<i32>} : memref<16x64xf32, #tpu.memory_space<vmem>>, vector<1x16xf32>,
        %mul3A_215 = arith.constant 2.000000e-02 : f32
        %mul3A_216 = vector.broadcast %mul3A_215 : f32 to vector<16xf32>
        %mul3A_217 = arith.mulf %scan3A_190#3, %mul3A_216 : vector<16xf32>
        %swap3A_218 = arith.index_cast %scan3A_176 : i32 to index
        %swap3A_219 = arith.constant 48 : index
        %swap3A_220 = tpu.vector_load %arg7[%swap3A_218, %swap3A_219] {strides = array<i32>} : memref<16x64xf32, #tpu.memory_space<vmem>>, vector<1x16xf32>,
        %swap3A_221 = vector.shape_cast %swap3A_220 : vector<1x16xf32> to vector<16xf32>
        %swap3A_222 = vector.shape_cast %mul3A_217 : vector<16xf32> to vector<1x16xf32>
        tpu.vector_store %arg7[%swap3A_218, %swap3A_219], %swap3A_222 {strides = array<i32>} : memref<16x64xf32, #tpu.memory_space<vmem>>, vector<1x16xf32>,
      }
      %scan3A_173 = arith.constant 16 : i32
      %mul3A_174 = arith.constant 16 : i32
      %mul3A_175 = arith.muli %add3A_9, %mul3A_174 : i32
      "tpu.region"() ({
        %run_scoped3A = tpu.sem_alloc : memref<!tpu.dma_semaphore, #tpu.memory_space<semaphore_mem>>
        %dma_start3A_176 = arith.constant 0 : i32
        %dma_start3A_177 = tpu.memref_slice %arg4[%mul3A_175, %dma_start3A_176] : memref<26624x64xf32, #tpu.memory_space<hbm>> -> memref<16x64xf32, #tpu.memory_space<hbm>>
        %dma_start3A_178 = arith.constant 0 : i32
        %dma_start3A_179 = tpu.memref_slice %arg4[%mul3A_175, %dma_start3A_178] : memref<26624x64xf32, #tpu.memory_space<hbm>> -> memref<16x64xf32, #tpu.memory_space<hbm>>
        tpu.enqueue_dma source(%arg7 : memref<16x64xf32, #tpu.memory_space<vmem>>) target(%dma_start3A_179 : memref<16x64xf32, #tpu.memory_space<hbm>>) target_semaphore(%run_scoped3A : memref<!tpu.dma_semaphore, #tpu.memory_space<semaphore_mem>>)
        %dma_wait3A_180 = arith.constant 0 : i32
        %dma_wait3A_181 = tpu.memref_slice %arg4[%mul3A_175, %dma_wait3A_180] : memref<26624x64xf32, #tpu.memory_space<hbm>> -> memref<16x64xf32, #tpu.memory_space<hbm>>
        %dma_wait3A_182 = arith.constant 0 : i32
        %dma_wait3A_183 = tpu.memref_slice %arg4[%mul3A_175, %dma_wait3A_182] : memref<26624x64xf32, #tpu.memory_space<hbm>> -> memref<16x64xf32, #tpu.memory_space<hbm>>
        tpu.wait_dma2 semaphore(%run_scoped3A : memref<!tpu.dma_semaphore, #tpu.memory_space<semaphore_mem>>) src(%arg7 : memref<16x64xf32, #tpu.memory_space<vmem>>) dst(%dma_wait3A_183 : memref<16x64xf32, #tpu.memory_space<hbm>>)
        tpu.yield
      }) : () -> ()
    }
    %scan3A_5 = arith.constant 52 : i32
    return
  }
}

</mosaic_0001>

<sc_bundles>
// kernel: _gather_pool.3.cloned.1.call-start
scs
__scs_entry_jumppad:
0x0: {  	(pc) =	sbr.rel $0x88, $3  }
0x1: {  	(tag) =	ssettag $0x0;
	lr =	simm.s32 $0x1  }
0x2: {  	[smem:$0x3F9F] =	sst lr;
	_ =	strace $0xD0000000  }
0x3: {  	_ = 	snop  }
0x4: {  	_ = 	snop  }
0x5: {  	_ = 	snop  }
0x6: {  	_ = 	snop  }
0x7: {  	_ = 	snop  }
__scs_overlays_trampoline_lowered:
0x8: {  	[smem:$0x3FAE] =	sst s0  }
0x9: {  	[smem:$0x3FAF] =	sst s1  }
0xa: {  	[smem:$0x3FB0] =	sst s2  }
0xb: {  	[smem:$0x3FB1] =	sst s3  }
0xc: {  	[smem:$0x3FB2] =	sst s4  }
0xd: {  	[smem:$0x3FB3] =	sst s5  }
0xe: {  	[smem:$0x3FB4] =	sst s6  }
0xf: {  	[smem:$0x3FB5] =	sst s7  }
0x10: {  	[smem:$0x3FB6] =	sst s8  }
0x11: {  	[smem:$0x3FB7] =	sst s9;
	s0 =	simm.s32 @!p0 $0x0  }
0x12: {  	s1 =	sld [smem:$0x3F9D];
	s0 =	simm.s32 @p0 $0x1  }
0x13: {  	[smem:$0x3FB8] =	sst s0;
	s0 =	simm.s32 @!p1 $0x0  }
0x14: {  	s2 =	sld [smem:$0x3F9C];
	s0 =	simm.s32 @p1 $0x1  }
0x15: {  	[smem:$0x3FB9] =	sst s0;
	s0 =	simm.s32 @!p2 $0x0  }
0x16: {  	s3 =	sld [smem:$0x3FDB];
	s0 =	simm.s32 @p2 $0x1  }
0x17: {  	s4 =	simm.s32 $0x1BF5;
	[smem:$0x3FBB] =	sst s0  }
0x18: {  	s0 =	sld [smem:$0x3F9E];
	_ =	swait.ge [sflag:s4], $0x0  }
0x19: {  	s7 =	sld [smem:$0x3F9F]  }
0x1a: {  	s8 =	sadd.s32 $0xFFFFE003, lr  }
0x1b: {  	s9 =	sadd.s32 $0xFFFFFEF7, lr;
	s5 =	simm.s32 $0xFFFFFFFF;
	p2 =	slt.u32 s8, $0xFFFFF086  }
0x1c: {  	p1 =	slt.u32 s9, $0xF7A;
	s5 =	simm.s32 @!p2 $0x0  }
0x1d: {  	s5 =	simm.s32 @p1 $0x1;
	p0 =	seq.s32 s7, s2  }
0x1e: {  	s7 =	smul.u32 @!p0 $0xF7A, s2;
	p2 =	seq.s32 @!p0 s5, $0x0  }
0x1f: {  	s9 =	smul.u32 $0xF7A, s1;
	s8 =	simm.s32 @!p0 $0x1BF5;
	p2 =	por !p2, p0  }
0x20: {  	[sflag:s8] =	ssyncset.s32 @!p0 $0xFFFFF086;
	s6 =	sadd.s32 @!p0 s3, s7;
	s7 =	simm.s32 @!p0 $0x108  }
0x21: {  	s3 =	sadd.s32 s3, s9;
	s6 =	sadd.s32 @!p0 $0x88, s6;
	s7 =	simm.s32 @p2 $0x1082  }
0x22: {  	[simem:s7], [sflag:s8] =	dma.local @!p0 [hbm:s6], $0xF7A  }
0x23: {  	s9 =	sor.u32 $0xD0000000, s2;
	s6 =	simm.s32 $0x108;
	_ =	swait.ge @!p0 [sflag:s8], $0x0  }
0x24: {  	s3 =	sadd.s32 $0x88, s3;
	s6 =	simm.s32 @!p1 $0x1082;
	[sflag:s4] =	ssyncset.s32 $0xFFFFF086  }
0x25: {  	[simem:s6], [sflag:s4] =	dma.local [hbm:s3], $0xF7A  }
0x26: {  	[smem:$0x3F9F] =	sst s1;
	(tag) =	ssettag s2;
	_ =	strace s9  }
0x27: {  	s1 =	sld [smem:$0x3FAF]  }
0x28: {  	s2 =	sld [smem:$0x3FB0]  }
0x29: {  	s4 =	sld [smem:$0x3FB2]  }
0x2a: {  	p0 =	seq.s32 s5, $0x0;
	s5 =	sld [smem:$0x3FB3]  }
0x2b: {  	s6 =	sld [smem:$0x3FB4]  }
0x2c: {  	s7 =	sld [smem:$0x3FB5]  }
0x2d: {  	s3 =	simm.s32 $0x108;
	s8 =	sld [smem:$0x3FB6]  }
0x2e: {  	s3 =	simm.s32 @!p0 $0x1082;
	s9 =	sld [smem:$0x3FB7]  }
0x2f: {  	lr =	sadd.s32 s0, s3;
	s0 =	sld [smem:$0x3FAE]  }
0x30: {  	s3 =	sld [smem:$0x3FB1]  }
0x31: {  	[smem:$0x3FBA] =	sst s10  }
0x32: {  	s10 =	sld [smem:$0x3FB8];
	_ =	sdelay $0x3  }
0x33: {  	p0 =	seq.s32 s10, $0x1;
	s10 =	sld [smem:$0x3FBA];
	_ =	sdelay $0x3  }
0x34: {  	[smem:$0x3FBA] =	sst s10  }
0x35: {  	s10 =	sld [smem:$0x3FB9];
	_ =	sdelay $0x3  }
0x36: {  	p1 =	seq.s32 s10, $0x1;
	s10 =	sld [smem:$0x3FBA];
	_ =	sdelay $0x3  }
0x37: {  	[smem:$0x3FBA] =	sst s10  }
0x38: {  	s10 =	sld [smem:$0x3FBB]  }
0x39: {  	_ = 	snop;
	(pc) =	sbr.ind lr, $3  }
0x3a: {  	_ = 	snop  }
0x3b: {  	_ = 	snop  }
0x3c: {  	p2 =	seq.s32 s10, $0x1;
	s10 =	sld [smem:$0x3FBA]  }
0x3d: {  	_ =	shalt  }
0x3e: {  	_ =	shalt  }
0x3f: {  	_ =	shalt  }
0x40: {  	_ =	shalt  }
0x41: {  	_ =	shalt  }
0x42: {  	_ =	shalt  }
0x43: {  	_ =	shalt  }
0x44: {  	_ =	shalt  }
0x45: {  	_ =	shalt  }
0x46: {  	_ =	shalt  }
0x47: {  	_ =	shalt  }
0x48: {  	_ =	shalt  }
0x49: {  	_ =	shalt  }
0x4a: {  	_ =	shalt  }
0x4b: {  	_ =	shalt  }
0x4c: {  	_ =	shalt  }
0x4d: {  	_ =	shalt  }
0x4e: {  	_ =	shalt  }
0x4f: {  	_ =	shalt  }
0x50: {  	_ =	shalt  }
0x51: {  	_ =	shalt  }
0x52: {  	_ =	shalt  }
0x53: {  	_ =	shalt  }
0x54: {  	_ =	shalt  }
0x55: {  	_ =	shalt  }
0x56: {  	_ =	shalt  }
0x57: {  	_ =	shalt  }
0x58: {  	_ =	shalt  }
0x59: {  	_ =	shalt  }
0x5a: {  	_ =	shalt  }
0x5b: {  	_ =	shalt  }
0x5c: {  	_ =	shalt  }
0x5d: {  	_ =	shalt  }
0x5e: {  	_ =	shalt  }
0x5f: {  	_ =	shalt  }
0x60: {  	_ =	shalt  }
0x61: {  	_ =	shalt  }
0x62: {  	_ =	shalt  }
0x63: {  	_ =	shalt  }
0x64: {  	_ =	shalt  }
0x65: {  	_ =	shalt  }
0x66: {  	_ =	shalt  }
0x67: {  	_ =	shalt  }
0x68: {  	_ =	shalt  }
0x69: {  	_ =	shalt  }
0x6a: {  	_ =	shalt  }
0x6b: {  	_ =	shalt  }
0x6c: {  	_ =	shalt  }
0x6d: {  	_ =	shalt  }
0x6e: {  	_ =	shalt  }
0x6f: {  	_ =	shalt  }
0x70: {  	_ =	shalt  }
0x71: {  	_ =	shalt  }
0x72: {  	_ =	shalt  }
0x73: {  	_ =	shalt  }
0x74: {  	_ =	shalt  }
0x75: {  	_ =	shalt  }
0x76: {  	_ =	shalt  }
0x77: {  	_ =	shalt  }
0x78: {  	_ =	shalt  }
0x79: {  	_ =	shalt  }
0x7a: {  	_ =	shalt  }
0x7b: {  	_ =	shalt  }
0x7c: {  	_ =	shalt  }
0x7d: {  	_ =	shalt  }
0x7e: {  	_ =	shalt  }
0x7f: {  	_ =	shalt  }
0x80: {  	_ =	shalt  }
0x81: {  	_ =	shalt  }
0x82: {  	_ =	shalt  }
0x83: {  	_ =	shalt  }
0x84: {  	_ =	shalt  }
0x85: {  	_ =	shalt  }
0x86: {  	_ =	shalt  }
0x87: {  	_ =	shalt  }
.Lfunc_end0:
.L_simem_size_0:
called_computation_lowered:
.L_overlay_start_0:
0x88: {  	s2 =	sld [smem:$0x3FD9]  }
0x89: {  	s3 =	sld [smem:$0x3FFE];
	_ =	sdelay $0x1  }
0x8a: {  	s1 =	srdreg.scid  }
0x8b: {  	s0 =	sand.u32 $0x1, s1  }
0x8c: {  	s17 =	sshll.u32 s0, $0xA;
	s2 =	sadd.s32 s3, s2  }
0x8d: {  	s2 =	sadd.s32 s2, s17  }
0x8e: {  	[smem:$0x3FC6] =	sst s2  }
0x8f: {  	_ = 	snop  }
0x90: {  	s2 =	sld [smem:$0x3FD0];
	(tm) =	ssettm $0x1  }
0x91: {  	s18 =	sld [smem:$0x3FFB];
	_ =	sdelay $0x3  }
0x92: {  	_ =	strace s18  }
0x93: {  	s3 =	sld [smem:$0x3FFC];
	_ =	sdelay $0x3  }
0x94: {  	_ =	strace s3  }
0x95: {  	s3 =	sld [smem:$0x3FFD];
	_ =	sdelay $0x3  }
0x96: {  	_ =	strace s3  }
0x97: {  	_ =	strace $0x8FFFFFFF  }
0x98: {  	s19 =	sld [smem:$0x3FDB];
	_ =	sdelay $0x1  }
0x99: {  	s4 =	simm.s32 $_scs_section_size  }
0x9a: {  	s5 =	simm.s32 $_size__tile_overlayer_lowered;
	s6 =	simm.s32 $_tile_overlayer_lowered  }
0x9b: {  	s22 =	simm.s32 $0x1BFF;
	s21 =	sshll.u32 s6, $0x1;
	s3 =	sadd.s32 s4, s19  }
0x9c: {  	s7 =	simm.s32 $0x0;
	s20 =	sshll.u32 s5, $0x1;
	s5 =	sadd.s32 s21, s3  }
0x9d: {  	[timem:s7], [sflag:s22] =	dma.local [hbm:s5], s20  }
0x9e: {  	_ =	swait.ge [sflag:s22], s20  }
0x9f: {  	s4 =	ssub.s32 $0x0, s20;
	[sflag:s22] =	ssyncset.done $0x0  }
0xa0: {  	[sflag:s22] =	ssyncadd.s32 s4;
	_ =	sdelay $0x1  }
0xa1: {  	s23 =	simm.s32 $0x1B8B  }
0xa2: {  	_ =	swait.ge [sflag:s23], $0x1  }
0xa3: {  	[sflag:s23] =	ssyncset.done $0x0  }
0xa4: {  	s25 =	simm.s32 $0x1B8E;
	s24 =	sld [smem:$0x3FFE];
	[sflag:s23] =	ssyncadd.s32 $0xFFFFFFFF  }
0xa5: {  	s26 =	simm.s32 $execute0_lowered;
	[smem:$0x3FD2] =	sst s25  }
0xa6: {  	s5 =	sshll.u32 s26, $0x1;
	_ =	strace $0x80000046;
	[dreg:$0x1] =	wrdreg $0xFFFFFFFF  }
0xa7: {  	s28 =	simm.s32 $_size_execute0_lowered;
	s3 =	sadd.s32 s3, s5;
	[dreg:$0x0] =	wrdreg $0x0  }
0xa8: {  	s5 =	sshll.u32 s28, $0x1;
	[dreg:$0x2] =	wrdreg s3  }
0xa9: {  	[dreg:$0x3] =	wrdreg s5  }
0xaa: {  	[dreg:$0x4] =	wrdreg $0xC0  }
0xab: {  	_ =	task [dreg:s7], $0x5FFFF  }
0xac: {  	[dreg:$0x1] =	wrdreg $0xFFFFFFFF  }
0xad: {  	[dreg:$0x0] =	wrdreg $0x60  }
0xae: {  	[dreg:$0x2] =	wrdreg s24  }
0xaf: {  	[dreg:$0x3] =	wrdreg s2  }
0xb0: {  	[dreg:$0x4] =	wrdreg $0x9  }
0xb1: {  	_ =	task.clear_ibuf [dreg:s7], $0x5FFFF;
	_ =	strace $0x90000046  }
0xb2: {  	s29 =	simm.s32 $0x9;
	_ =	strace $0x80000048  }
0xb3: {  	_ =	swait.ge [sflag:s29], $0x1  }
0xb4: {  	[sflag:s29] =	ssyncadd.s32 $0xFFFFFFFF  }
0xb5: {  	_ =	strace $0x90000048  }
0xb6: {  	_ =	sfence  }
0xb7: {  	s30 =	sld [smem:$0x0];
	_ =	sdelay $0x2  }
0xb8: {  	s31 =	sshll.u32 s1, $0xD;
	s1 =	sshrl.u32 s1, $0x2  }
0xb9: {  	s3 =	sand.u32 $0x4000, s31;
	s1 =	sadd.s32 s1, s30  }
0xba: {  	s0 =	sor.u32 s3, s0;
	s1 =	sshll.u32 s1, $0x11  }
0xbb: {  	s0 =	sor.u32 s1, s0  }
0xbc: {  	s0 =	sadd.s32 $0x8F2B, s0  }
0xbd: {  	[sflag:s0] =	ssyncadd.remote.s32 $0x1  }
0xbe: {  	_ =	sfence.sel $0xFFFF  }
0xbf: {  	[dreg:$0x0] =	wrdreg $0xFFFFFFFF;
	(pc) =	sbr.abs _section_cstart, $3  }
0xc0: {  	[dreg:$0x1] =	wrdreg $0xFFFFFFFF  }
0xc1: {  	_ =	task.clear_ibuf [dreg:s7], $0x2FFFF;
	_ =	strace $0x9FFFFFFF  }
0xc2: {  	(tm) =	ssettm $0x7FFFFFFF  }
0xc3: {  	_ =	shalt  }
tec
execute0_lowered:
.L_overlay_start_1:
0x0: {  	(tag) =	ssettag $0x1  }
0x1: {  	s0 =	rddreg [dreg:$0x0]  }
0x2: {  	s1 =	rddreg [dreg:$0x1]  }
0x3: {  	s3 =	simm.s32 $0x0;
	s2 =	srdreg.scid;
	s4 =	stileid.u32  }
0x4: {  	s8 =	simm.s32 $0x2;
	s9 =	simm.s32 $0x64;
	s10 =	simm.s32 $0x340  }
0x5: {  	s11 =	simm.s32 $0x68;
	s12 =	simm.s32 $0x1C40;
	s13 =	simm.s32 $0xD0  }
0x6: {  	s14 =	simm.s32 $0x3540;
	s15 =	simm.s32 $0x138;
	s16 =	simm.s32 $0x4E40  }
0x7: {  	s17 =	simm.s32 $0x1A0;
	s18 =	simm.s32 $0x6740;
	s19 =	simm.s32 $0x208  }
0x8: {  	s20 =	simm.s32 $0x8040;
	s21 =	simm.s32 $0x270;
	s22 =	simm.s32 $0x9940  }
0x9: {  	s23 =	simm.s32 $0x2D8;
	s24 =	simm.s32 $0xB240;
	s2 =	sand.u32 $0x1, s2  }
0xa: {  	s25 =	simm.s32 $0x1;
	s26 =	simm.s32 $0xCB40;
	s6 =	ssub.s32 $0x2, s2  }
0xb: {  	s28 =	simm.s32 $0x0;
	[smem:$0x7FF] =	sst s3;
	s7 =	sshrl.u32 s6, $0x1  }
0xc: {  	s5 =	sshll.u32 s4, $0x1;
	s4 =	sadd.s32 $0xF42A00, s0;
	s31 =	ssub.s32 s6, s7  }
0xd: {  	s2 =	sor.u32 s2, s5;
	s5 =	sadd.s32 $0x600, s0;
	s0 =	smax.u32 s31, $0x1  }
0xe: {  	_ =	strace $0x80000047;
	s6 =	smul.u32 $0x34, s2;
	[dreg:$0x3] =	wrdreg s0  }
.LBB2_1:
0xf: {  	s29 =	simm.s32 $0x0  }
.LBB2_2:
0x10: {  	s30 =	sadd.s32 s6, s29  }
0x11: {  	s0 =	smul.u32 $0x68, s30;
	_ =	sdelay $0x1  }
0x12: {  	s31 =	simm.s32 $0x0;
	s0 =	sadd.s32 s5, s0  }
0x13: {  	[tilespmem:s31], [sflag:$0x2] =	stream.linear.gather [hbm4b:s0+s31], $0x340, $0x38;
	[tilespmem:$0xCF40] =	vst v63  }
0x14: {  	_ =	swait.ge [sflag:s8], $0x340  }
0x15: {  	[sflag:s8] =	ssyncset.done $0x0  }
0x16: {  	[sflag:s8] =	ssyncadd.s32 $0xFFFFFCC0  }
0x17: {  	[tilespmem:s10], [sflag:$0x1] =	stream.indirect.gather [hbm4b:s4+s9], $0x40, s31, s9, $0xb8;
	[tilespmem:$0xCF40] =	vst v63  }
0x18: {  	_ = 	snop  }
0x19: {  	[tilespmem:s12], [sflag:$0x1] =	stream.indirect.gather [hbm4b:s4+s9], $0x40, s11, s9, $0xb8;
	[tilespmem:$0xCF40] =	vst v63  }
0x1a: {  	_ = 	snop  }
0x1b: {  	[tilespmem:s14], [sflag:$0x1] =	stream.indirect.gather [hbm4b:s4+s9], $0x40, s13, s9, $0xb8;
	[tilespmem:$0xCF40] =	vst v63  }
0x1c: {  	_ = 	snop  }
0x1d: {  	[tilespmem:s16], [sflag:$0x1] =	stream.indirect.gather [hbm4b:s4+s9], $0x40, s15, s9, $0xb8;
	[tilespmem:$0xCF40] =	vst v63  }
0x1e: {  	_ = 	snop  }
0x1f: {  	[tilespmem:s18], [sflag:$0x1] =	stream.indirect.gather [hbm4b:s4+s9], $0x40, s17, s9, $0xb8;
	[tilespmem:$0xCF40] =	vst v63  }
0x20: {  	_ = 	snop  }
0x21: {  	[tilespmem:s20], [sflag:$0x1] =	stream.indirect.gather [hbm4b:s4+s9], $0x40, s19, s9, $0xb8;
	[tilespmem:$0xCF40] =	vst v63  }
0x22: {  	_ = 	snop  }
0x23: {  	[tilespmem:s22], [sflag:$0x1] =	stream.indirect.gather [hbm4b:s4+s9], $0x40, s21, s9, $0xb8;
	[tilespmem:$0xCF40] =	vst v63  }
0x24: {  	_ = 	snop  }
0x25: {  	[tilespmem:s24], [sflag:$0x1] =	stream.indirect.gather [hbm4b:s4+s9], $0x40, s23, s9, $0xb8;
	[tilespmem:$0xCF40] =	vst v63  }
0x26: {  	_ =	swait.ge [sflag:s25], $0x1900  }
0x27: {  	[sflag:s25] =	ssyncset.done $0x0  }
0x28: {  	[sflag:s25] =	ssyncadd.s32 $0xFFFFE700  }
0x29: {  	_ =	swait.ge [sflag:s25], $0x1900  }
0x2a: {  	[sflag:s25] =	ssyncset.done $0x0  }
0x2b: {  	[sflag:s25] =	ssyncadd.s32 $0xFFFFE700  }
0x2c: {  	_ =	swait.ge [sflag:s25], $0x1900  }
0x2d: {  	[sflag:s25] =	ssyncset.done $0x0  }
0x2e: {  	[sflag:s25] =	ssyncadd.s32 $0xFFFFE700  }
0x2f: {  	_ =	swait.ge [sflag:s25], $0x1900  }
0x30: {  	[sflag:s25] =	ssyncset.done $0x0  }
0x31: {  	[sflag:s25] =	ssyncadd.s32 $0xFFFFE700  }
0x32: {  	_ =	swait.ge [sflag:s25], $0x1900  }
0x33: {  	[sflag:s25] =	ssyncset.done $0x0  }
0x34: {  	[sflag:s25] =	ssyncadd.s32 $0xFFFFE700  }
0x35: {  	_ =	swait.ge [sflag:s25], $0x1900  }
0x36: {  	[sflag:s25] =	ssyncset.done $0x0  }
0x37: {  	[sflag:s25] =	ssyncadd.s32 $0xFFFFE700  }
0x38: {  	_ =	swait.ge [sflag:s25], $0x1900  }
0x39: {  	[sflag:s25] =	ssyncset.done $0x0  }
0x3a: {  	[sflag:s25] =	ssyncadd.s32 $0xFFFFE700  }
0x3b: {  	_ =	swait.ge [sflag:s25], $0x1900  }
0x3c: {  	[sflag:s25] =	ssyncset.done $0x0  }
0x3d: {  	s0 =	simm.s32 $0x360;
	[sflag:s25] =	ssyncadd.s32 $0xFFFFE700  }
.LBB2_3:
0x3e: {  	v2 =	vmov s0;
	_ =	sdelay $0x3  }
0x3f: {  	s7 =	simm.s32 $0x0  }
0x40: {  	v0 =	vld.idx.msk [tilespmem:v2+s7+$0x10 ss:$0x1], $0xffff  }
0x41: {  	v3 =	vld.idx.msk [tilespmem:v2+s7+$0xFFFFFFE0 ss:$0x1], $0xffff  }
0x42: {  	v1 =	vimm.f32 $0.0e+00;
	v4 =	vld.idx.msk [tilespmem:v2+s7+$0xFFFFFFF0 ss:$0x1], $0xffff  }
0x43: {  	s2 =	simm.s32 $0x100;
	v6 =	vimm.f32 $0.0e+00;
	v7 =	vimm.f32 $0.0e+00;
	v8 =	vimm.f32 $0.0e+00;
	v5 =	vld.idx.msk [tilespmem:v2+s7+$0x0 ss:$0x1], $0xffff  }
.LBB2_4:
0x44: {  	p0 =	sne.s32 s2, $0x3100  }
.Ltmp0:
0x45: {  	s7 =	sshra.s32 s2, $0x2;
	s2 =	sadd.s32 $0x100, s2;
	(pc) =	sbr.rel @p0 .LBB2_4-.Ltmp0, $4  }
0x46: {  	v1 =	vadd.f32 v0, v1;
	v0 =	vld.idx.msk [tilespmem:v2+s7+$0x10 ss:$0x1], $0xffff  }
0x47: {  	v6 =	vadd.f32 v3, v6;
	v3 =	vld.idx.msk [tilespmem:v2+s7+$0xFFFFFFE0 ss:$0x1], $0xffff  }
0x48: {  	v7 =	vadd.f32 v4, v7;
	v4 =	vld.idx.msk [tilespmem:v2+s7+$0xFFFFFFF0 ss:$0x1], $0xffff  }
0x49: {  	v8 =	vadd.f32 v5, v8;
	v5 =	vld.idx.msk [tilespmem:v2+s7+$0x0 ss:$0x1], $0xffff  }
0x4a: {  	_ = 	snop  }
0x4b: {  	v0 =	vadd.f32 v0, v1  }
0x4c: {  	s2 =	sshll.u32 s31, $0x6;
	s31 =	sadd.s32 $0x1, s31;
	v2 =	vadd.f32 v3, v6  }
0x4d: {  	p0 =	sne.s32 s31, $0x10;
	v60 =	vadd.f32 v4, v7;
	v0 =	vmul.f32 $1.999999960e-02, v0  }
.Ltmp1:
0x4e: {  	s2 =	sand.u32 $0x3FFFFFC0, s2;
	v61 =	vadd.f32 v5, v8;
	v2 =	vmul.f32 $1.999999960e-02, v2;
	(pc) =	sbr.rel @p0 .LBB2_3-.Ltmp1, $4  }
0x4f: {  	v62 =	vmul.f32 $1.999999960e-02, v60;
	[tilespmem:s2+$0xCB70] =	vst v0  }
0x50: {  	[tilespmem:s2+$0xCB40] =	vst v2;
	v63 =	vmul.f32 $1.999999960e-02, v61  }
0x51: {  	[tilespmem:s2+$0xCB50] =	vst v62  }
0x52: {  	s0 =	sadd.s32 $0xC80, s0;
	[tilespmem:s2+$0xCB60] =	vst v63  }
0x53: {  	s29 =	sadd.s32 $0x1, s29  }
0x54: {  	s0 =	sshll.u32 s30, $0x7;
	p0 =	sne.s32 s29, $0x34  }
.Ltmp2:
0x55: {  	s0 =	sadd.s32 s1, s0;
	(pc) =	sbr.rel @p0 .LBB2_2-.Ltmp2, $4  }
0x56: {  	[hbm4b:s0+s3] =	stream.linear.scatter [tilespmem:s26], [sflag:$0x2], $0x400, $0x38;
	[tilespmem:$0xCF40] =	vst v63  }
0x57: {  	_ =	swait.ge [sflag:s8], $0x400  }
0x58: {  	[sflag:s8] =	ssyncset.done $0x0  }
0x59: {  	[sflag:s8] =	ssyncadd.s32 $0xFFFFFC00  }
0x5a: {  	s28 =	sadd.s32 $0x1, s28;
	s0 =	rddreg [dreg:$0x3]  }
0x5b: {  	p0 =	sne.s32 s28, s0  }
.Ltmp3:
0x5c: {  	_ = 	snop;
	(pc) =	sbr.rel @p0 .LBB2_1-.Ltmp3, $1  }
0x5d: {  	_ =	sdelay $0x3  }
0x5e: {  	_ =	sfence.sel $0x180000  }
0x5f: {  	[bflag:$0x0] =	sbarrier.arrive $0xFFFF  }
0x60: {  	_ =	strace $0x90000047  }
0x61: {  	s0 =	stileid.u32;
	[bflag:$0x2] =	sbarrier.arrive $0xFFFF  }
0x62: {  	p0 =	sne.s32 s0, $0x0;
	s0 =	rddreg [dreg:$0x2]  }
0x63: {  	s0 =	sadd.s32 @!p0 $0x100000, s0  }
0x64: {  	[sflag:s0] =	ssyncadd.tile.s32 @!p0 $0x1;
	_ =	shalt  }
.Lfunc_end2:
_tile_overlayer_lowered:
.L_overlay_start_2:
0x65: {  	(tag) =	ssettag $0x2  }
0x66: {  	s0 =	rddreg [dreg:$0x0];
	s2 =	stileid.u32  }
0x67: {  	s1 =	rddreg [dreg:$0x1];
	p0 =	sne.s32 s2, $0x0  }
0x68: {  	s3 =	rddreg [dreg:$0x2];
	[bflag:$0x3] =	sbarrier.arrive $0xFFFF;
	s2 =	simm.s32 @!p0 $0x1C02  }
0x69: {  	[timem:s3], [sflag:s2] =	dma.local @!p0 [hbm:s0], s1  }
0x6a: {  	s0 =	simm.s32 @!p0 $0x2  }
0x6b: {  	_ =	swait.ge @!p0 [sflag:s0], s1  }
0x6c: {  	s1 =	ssub.s32 @!p0 $0x0, s1;
	[sflag:s0] =	ssyncset.done @!p0 $0x0  }
0x6d: {  	[sflag:s0] =	ssyncadd.s32 @!p0 s1  }
0x6e: {  	[bflag:$0x3] =	sbarrier.arrive $0xFFFF  }
0x6f: {  	_ =	shalt  }

</sc_bundles>
